<compile_context>
chip_gen: v7x
topology: tpu7x:2x2x1
jax: 0.10.2.dev20260603
libtpu: 0.0.44.dev20260713+nightly
codegen_flags: <defaults>
</compile_context>

<pallas_src>
import jax
import jax.numpy as jnp
from jax.experimental import pallas as pl
from jax.experimental.pallas import tpu as pltpu


def _noop(x_hbm, o_hbm, buf):
    buf[...] = buf[...] + 1.0


def kernel(x, k):
    del k
    B, C, H, W = x.shape
    HW = H * W
    y = x.reshape(B, C // 32, 32, HW // 128, 128).transpose(0, 1, 3, 2, 4)
    out = pl.pallas_call(
        _noop,
        in_specs=[pl.BlockSpec(memory_space=pl.ANY)],
        out_specs=pl.BlockSpec(memory_space=pl.ANY),
        out_shape=jax.ShapeDtypeStruct((B, C // 32, HW // 128, 32, 128), x.dtype),
        scratch_shapes=[pltpu.VMEM((8, 128), jnp.float32)],
    )(y)
    return out.transpose(0, 1, 3, 2, 4).reshape(B, C, H, W)

# --- scband reference (transcript-rebuilt; emitter-appended) ---
"""Pipeline reference for scband-kwinners-competition-32710470926554 (READ-ONLY COPY).

The authoritative reference and input builder live on the scoring server;
editing this copy changes nothing except your own understanding.
"""

import jax, jax.numpy as jnp
import numpy as np


def setup_inputs(seed: int = 0) -> dict:
    key = jax.random.key(seed)
    x = jax.random.normal(key, (32, 768, 32, 32), dtype=jnp.float32)
    return {"x": x, "k": 16}


def reference(x, k):
    # KWinnersCompetition with apply_hard=True, apply_soft=True, detach_means=True
    B, C, H, W = x.shape
    # hard k-winners plasticity mask along channel dim (dim=1)
    xt = jnp.moveaxis(x, 1, -1).reshape(-1, C)  # [B*H*W, C]
    order = jnp.argsort(-xt, axis=1)            # stable descending order, ties by lowest index
    ranks = jnp.argsort(order, axis=1)          # inverse permutation: rank of each channel
    mask_flat = ranks < k                       # [B*H*W, C], True for top-k channels
    mask = jnp.moveaxis(mask_flat.reshape(B, H, W, C), -1, 1)  # [B, C, H, W]
    non_plastic = jax.lax.stop_gradient(x)
    plasticity_masked = jnp.where(mask, x, non_plastic)
    # soft competition: CenteredActivations by='pos' -> mean over channels (dim=1), detached
    means = jnp.mean(plasticity_masked, axis=1, keepdims=True)
    means = jax.lax.stop_gradient(means)
    centered = plasticity_masked - means
    return jax.nn.relu(centered)

if __name__ == "__main__":
    import jax
    _d = setup_inputs()
    print(jax.jit(kernel)(*tuple(_d.values())))

</pallas_src>

<mosaic_0001>
module attributes {stable_mosaic.version = 14 : i64} {
  func.func @_noop(%arg0: memref<32x24x8x32x128xf32, #tpu.memory_space<any>>, %arg1: memref<32x24x8x32x128xf32, #tpu.memory_space<any>>, %arg2: memref<8x128xf32, #tpu.memory_space<vmem>>) attributes {dimension_semantics = [], scalar_prefetch = 0 : i64, scratch_operands = 1 : i64, tpu.core_type = #tpu.core_type<tc>} {
    %get3A = arith.constant 0 : index
    %get3A_0 = arith.constant 0 : index
    %get3A_1 = vector.load %arg2[%get3A, %get3A_0] : memref<8x128xf32, #tpu.memory_space<vmem>>, vector<8x128xf32>
    %add3A = arith.constant 1.000000e+00 : f32
    %add3A_2 = vector.broadcast %add3A : f32 to vector<8x128xf32>
    %add3A_3 = arith.addf %get3A_1, %add3A_2 : vector<8x128xf32>
    %swap3A = arith.constant 0 : index
    %swap3A_4 = arith.constant 0 : index
    %swap3A_5 = vector.load %arg2[%swap3A, %swap3A_4] : memref<8x128xf32, #tpu.memory_space<vmem>>, vector<8x128xf32>
    tpu.vector_store %arg2[%swap3A, %swap3A_4], %add3A_3 {strides = array<i32>} : memref<8x128xf32, #tpu.memory_space<vmem>>, vector<8x128xf32>,
    return
  }
}

</mosaic_0001>

<sc_bundles>
// kernel: sparse-core-data-format-call.1.cloned.1.call-start
scs
called_computation.1_lowered:
.L_overlay_start_0:
0x0: {  	s1 =	sld [smem:$0x3FD9]  }
0x1: {  	s2 =	sld [smem:$0x3FFE];
	_ =	sdelay $0x1  }
0x2: {  	s3 =	srdreg.scid  }
0x3: {  	s0 =	sand.u32 $0x1, s3  }
0x4: {  	s17 =	sshll.u32 s0, $0xA;
	s1 =	sadd.s32 s2, s1  }
0x5: {  	s1 =	sadd.s32 s1, s17  }
0x6: {  	[smem:$0x3FC7] =	sst s1  }
0x7: {  	_ = 	snop  }
0x8: {  	(tm) =	ssettm $0x1  }
0x9: {  	s18 =	sld [smem:$0x3FFB];
	_ =	sdelay $0x3  }
0xa: {  	_ =	strace s18  }
0xb: {  	s1 =	sld [smem:$0x3FFC];
	_ =	sdelay $0x3  }
0xc: {  	_ =	strace s1  }
0xd: {  	s1 =	sld [smem:$0x3FFD];
	_ =	sdelay $0x3  }
0xe: {  	_ =	strace s1  }
0xf: {  	_ =	strace $0x8FFFFFFF  }
0x10: {  	s19 =	sld [smem:$0x3FDB];
	_ =	sdelay $0x1  }
0x11: {  	s20 =	simm.s32 $_scs_section_size  }
0x12: {  	s4 =	simm.s32 $_size__tile_overlayer_lowered;
	s5 =	simm.s32 $_tile_overlayer_lowered  }
0x13: {  	s23 =	simm.s32 $0x1BFF;
	s22 =	sshll.u32 s5, $0x1;
	s1 =	sadd.s32 s20, s19  }
0x14: {  	s6 =	simm.s32 $0x0;
	s21 =	sshll.u32 s4, $0x1;
	s4 =	sadd.s32 s22, s1  }
0x15: {  	[timem:s6], [sflag:s23] =	dma.local [hbm:s4], s21  }
0x16: {  	_ =	swait.ge [sflag:s23], s21  }
0x17: {  	s2 =	ssub.s32 $0x0, s21;
	[sflag:s23] =	ssyncset.done $0x0  }
0x18: {  	[sflag:s23] =	ssyncadd.s32 s2;
	_ =	sdelay $0x1  }
0x19: {  	s24 =	simm.s32 $0x1B8B  }
0x1a: {  	_ =	swait.ge [sflag:s24], $0x1  }
0x1b: {  	[sflag:s24] =	ssyncset.done $0x0  }
0x1c: {  	s26 =	simm.s32 $0x1B8E;
	s25 =	sld [smem:$0x3FFE];
	[sflag:s24] =	ssyncadd.s32 $0xFFFFFFFF  }
0x1d: {  	s27 =	simm.s32 $execute0_lowered;
	[smem:$0x3FD2] =	sst s26  }
0x1e: {  	s4 =	sshll.u32 s27, $0x1;
	_ =	strace $0x80000046;
	[dreg:$0x1] =	wrdreg $0xFFFFFFFF  }
0x1f: {  	s28 =	simm.s32 $_size_execute0_lowered;
	s1 =	sadd.s32 s1, s4;
	[dreg:$0x0] =	wrdreg $0x0  }
0x20: {  	s4 =	sshll.u32 s28, $0x1;
	[dreg:$0x2] =	wrdreg s1  }
0x21: {  	[dreg:$0x3] =	wrdreg s4  }
0x22: {  	[dreg:$0x4] =	wrdreg $0xC0  }
0x23: {  	_ =	task [dreg:s6], $0x5FFFF  }
0x24: {  	[dreg:$0x1] =	wrdreg $0xFFFFFFFF  }
0x25: {  	[dreg:$0x0] =	wrdreg $0x60  }
0x26: {  	[dreg:$0x2] =	wrdreg s25  }
0x27: {  	[dreg:$0x3] =	wrdreg $0x9  }
0x28: {  	_ =	task.clear_ibuf [dreg:s6], $0x4FFFF;
	_ =	strace $0x90000046  }
0x29: {  	s29 =	simm.s32 $0x9;
	_ =	strace $0x80000048  }
0x2a: {  	_ =	swait.ge [sflag:s29], $0x1  }
0x2b: {  	[sflag:s29] =	ssyncadd.s32 $0xFFFFFFFF  }
0x2c: {  	_ =	strace $0x90000048  }
0x2d: {  	_ =	sfence  }
0x2e: {  	s30 =	sld [smem:$0x0];
	_ =	sdelay $0x2  }
0x2f: {  	s31 =	sshll.u32 s3, $0xD;
	s3 =	sshrl.u32 s3, $0x2  }
0x30: {  	s2 =	sand.u32 $0x4000, s31;
	s1 =	sadd.s32 s3, s30  }
0x31: {  	s0 =	sor.u32 s2, s0;
	s1 =	sshll.u32 s1, $0x11  }
0x32: {  	s0 =	sor.u32 s1, s0  }
0x33: {  	s0 =	sadd.s32 $0x8F2B, s0  }
0x34: {  	[sflag:s0] =	ssyncadd.remote.s32 $0x1  }
0x35: {  	_ =	sfence.sel $0xFFFF  }
0x36: {  	[dreg:$0x0] =	wrdreg $0xFFFFFFFF;
	(pc) =	sbr.abs _section_cstart, $3  }
0x37: {  	[dreg:$0x1] =	wrdreg $0xFFFFFFFF  }
0x38: {  	_ =	task.clear_ibuf [dreg:s6], $0x2FFFF;
	_ =	strace $0x9FFFFFFF  }
0x39: {  	(tm) =	ssettm $0x7FFFFFFF  }
tec
execute0_lowered:
.L_overlay_start_1:
0x0: {  	(tag) =	ssettag $0x1  }
0x1: {  	s4 =	rddreg [dreg:$0x0]  }
0x2: {  	s0 =	rddreg [dreg:$0x1];
	_ =	strace $0x80000047;
	s3 =	srdreg.scid  }
0x3: {  	s1 =	stileid.u32;
	s6 =	simm.s32 $0x2;
	s12 =	simm.s32 $0x0  }
0x4: {  	p0 =	por $0x0, $0x0;
	s11 =	simm.s32 $0x0;
	s13 =	simm.s32 $0x0  }
.Ltmp0:
0x5: {  	s14 =	simm.s32 $0x0;
	s7 =	simm.s32 $0x0;
	(pc) =	sbr.rel .LBB1_1-.Ltmp0, $4  }
0x6: {  	s8 =	simm.s32 $0x0;
	s9 =	simm.s32 $0x0;
	s5 =	sshll.u32 s3, $0x4  }
0x7: {  	s2 =	sadd.s32 $0x800, s4;
	s3 =	simm.s32 $0x1;
	s5 =	sand.u32 $0x10, s5  }
0x8: {  	s4 =	sadd.s32 $0xC00800, s4;
	[sflag:s3] =	ssyncpa.u1 $0x0;
	s5 =	sor.u32 s1, s5  }
0x9: {  	[sflag:s6] =	ssyncpa.u1 $0x0;
	s6 =	simm.s32 $0x0;
	s10 =	smov.u32 s5  }
.LBB1_7:
0xa: {  	s15 =	sadd.s32 $0x1, s7  }
0xb: {  	s11 =	sadd.s32 $0x80, s8;
	s16 =	smov.u32 s8;
	p2 =	sgt.s32 s15, $0x17  }
0xc: {  	s16 =	smov.u32 @p2 s11  }
0xd: {  	s17 =	smov.u32 s9;
	s11 =	sadd.s32 $0x4, s9;
	p3 =	sgt.s32 s16, $0x7F  }
0xe: {  	s17 =	smov.u32 @p3 s11  }
0xf: {  	s18 =	smov.u32 s10;
	s11 =	sadd.s32 $0x20, s10;
	p4 =	sgt.s32 s17, $0x7  }
0x10: {  	p1 =	slt.u32 s6, $0x2;
	s18 =	smov.u32 @p4 s11  }
0x11: {  	s6 =	sadd.s32 $0x1, s6;
	s15 =	simm.s32 @p2 $0x0;
	p2 =	sgt.s32 s18, $0x1F  }
0x12: {  	s12 =	smov.u32 s7;
	s18 =	smov.u32 @p2 s5;
	p2 =	sne.s32 s6, $0x32  }
.Ltmp1:
0x13: {  	s13 =	smov.u32 s9;
	s19 =	simm.s32 @!p1 $0x2;
	(pc) =	sbr.rel @!p2 .LBB1_8-.Ltmp1, $4  }
0x14: {  	s14 =	smov.u32 s10;
	p0 =	por !p0, !p0;
	_ =	swait.ge @!p1 [sflag:s19], $0x4000  }
0x15: {  	[sflag:s19] =	ssyncset.done @!p1 $0x0;
	s7 =	smov.u32 s15;
	s16 =	simm.s32 @p3 $0x0  }
0x16: {  	[sflag:s19] =	ssyncadd.s32 @!p1 $0xFFFFC000;
	s17 =	simm.s32 @p4 $0x0;
	s11 =	smov.u32 s8  }
0x17: {  	s8 =	smov.u32 s16;
	s9 =	smov.u32 s17;
	s10 =	smov.u32 s18  }
.LBB1_1:
0x18: {  	p1 =	sgt.u32 s6, $0x2F  }
0x19: {  	s15 =	sand.u32 @!p1 $0x1FFFFFF, s7;
	s17 =	smul.u32 @!p1 $0x60000, s10  }
0x1a: {  	s16 =	smulhi.u32 @!p1 $0xAAAAAAB, s15  }
0x1b: {  	s18 =	smul.u32 @!p1 $0xC000, s9  }
0x1c: {  	s16 =	smul.u32 @!p1 $0x18, s16  }
0x1d: {  	s19 =	sxor.u32 @!p1 $0xFFFFFFFF, s6;
	s20 =	smul.u32 @!p1 $0x180, s8;
	s17 =	sadd.s32 @!p1 s2, s17  }
0x1e: {  	s17 =	sadd.s32 @!p1 s18, s17;
	s18 =	simm.s32 @!p1 $0xC00;
	s15 =	ssub.s32 @!p1 s15, s16  }
0x1f: {  	s17 =	sadd.s32 @!p1 s20, s17;
	s16 =	sshll.u32 @!p1 s19, $0xE;
	s15 =	sshll.u32 @!p1 s15, $0x4  }
0x20: {  	s16 =	sand.u32 @!p1 $0x4000, s16;
	s15 =	sadd.s32 @!p1 s15, s17;
	s17 =	simm.s32 @!p1 $0x20  }
0x21: {  	[tilespmem:s16], [sflag:$0x1] =	stream.strided.gather @!p1 [hbm4b:s15+s17], $0x4000, s18, s17, $0x38;
	[tilespmem:$0x10100] =	vst v63  }
0x22: {  	p1 =	seq.s32 s6, $0x0  }
0x23: {  	p2 =	seq.s32 @!p1 s6, $0x31  }
0x24: {  	p1 =	por p1, p2  }
.Ltmp2:
0x25: {  	_ = 	snop;
	(pc) =	sbr.rel @p1 .LBB1_7-.Ltmp2, $1  }
0x26: {  	_ =	sdelay $0x3  }
0x27: {  	s15 =	simm.s32 $0x1;
	s17 =	sand.u32 $0x1, s6  }
0x28: {  	_ =	swait.ge [sflag:s3], $0x4000;
	s15 =	simm.s32 @!p0 $0x0;
	s18 =	smul.u32 $0x10200, s17  }
0x29: {  	[sflag:s3] =	ssyncset.done $0x0;
	s16 =	smul.u32 $0x10200, s15  }
0x2a: {  	s15 =	sshll.u32 s15, $0xE;
	[sflag:s3] =	ssyncadd.s32 $0xFFFFC000  }
0x2b: {  	s17 =	sor.u32 $0x10, s15;
	s31 =	sshrl.u32 s18, $0x2;
	s16 =	sshrl.u32 s16, $0x2  }
0x2c: {  	s18 =	simm.s32 $0x0;
	s15 =	sor.u32 $0x8000, s31;
	s16 =	sor.u32 $0x8000, s16  }
.LBB1_3:
0x2d: {  	v1 =	vld [tilespmem:s17+$0x0]  }
0x2e: {  	v0 =	vld [tilespmem:s17+$0xFFFFFFF0];
	_ =	sdelay $0x2  }
0x2f: {  	s21 =	sadd.s32 $0x0, s16  }
0x30: {  	s19 =	simm.s32 $0x4;
	s20 =	sadd.s32 $0x20, s17;
	[tilespmem:s21+$0x810 ss:$0x81] =	vst.msk $0xffff, v1  }
.LBB1_4:
0x31: {  	v1 =	vld [tilespmem:s20+$0x0];
	p1 =	sne.s32 s19, $0x1FC;
	[tilespmem:s21+$0x0 ss:$0x81] =	vst.msk $0xffff, v0;
	s21 =	smov.u32 s19;
	s19 =	sadd.s32 $0x4, s19  }
.Ltmp3:
0x32: {  	v0 =	vld [tilespmem:s20+$0xFFFFFFF0];
	(pc) =	sbr.rel @p1 .LBB1_4-.Ltmp3, $4  }
0x33: {  	_ = 	snop  }
0x34: {  	s21 =	sshra.s32 s21, $0x2  }
0x35: {  	s21 =	sadd.s32 s21, s16  }
0x36: {  	s20 =	sadd.s32 $0x20, s20;
	[tilespmem:s21+$0x810 ss:$0x81] =	vst.msk $0xffff, v1  }
0x37: {  	s18 =	sadd.s32 $0x1, s18  }
0x38: {  	p1 =	sne.s32 s18, $0x4  }
.Ltmp4:
0x39: {  	_ = 	snop;
	(pc) =	sbr.rel @p1 .LBB1_3-.Ltmp4, $2  }
0x3a: {  	_ =	sdelay $0x2  }
0x3b: {  	[tilespmem:s21+$0x0 ss:$0x81] =	vst.msk $0xffff, v0;
	s16 =	sadd.s32 $0x1020, s16;
	s17 =	sadd.s32 $0x1000, s17  }
0x3c: {  	s14 =	smul.u32 $0x18000, s14;
	_ =	sdelay $0x1  }
0x3d: {  	s13 =	sshll.u32 s13, $0x9;
	s14 =	sadd.s32 s4, s14  }
.Ltmp5:
0x3e: {  	s16 =	sand.u32 $0x180, s11;
	s13 =	sadd.s32 s13, s14;
	(pc) =	sbr.rel .LBB1_7-.Ltmp5, $4  }
0x3f: {  	s12 =	sshll.u32 s12, $0xC;
	s30 =	sshrl.u32 s11, $0x3;
	s13 =	sadd.s32 s16, s13  }
0x40: {  	s14 =	sand.u32 $0xF, s30;
	s12 =	sadd.s32 s12, s13  }
0x41: {  	s31 =	sand.u32 $0x7, s11;
	s12 =	sadd.s32 s14, s12  }
0x42: {  	[hbm4b:s12+s31] =	stream.linear.scatter [tilespmem:s15], [sflag:$0x2], $0x4000, $0x20;
	[tilespmem:$0x10100] =	vst v63  }
.LBB1_8:
0x43: {  	_ =	sfence.sel $0x180000  }
0x44: {  	s2 =	simm.s32 $0x1;
	[bflag:$0x0] =	sbarrier.arrive $0xFFFF  }
0x45: {  	s31 =	simm.s32 $0x2;
	[sflag:s2] =	ssyncpa.u1 $0x1  }
0x46: {  	[sflag:s31] =	ssyncpa.u1 $0x1  }
0x47: {  	p0 =	sne.s32 s1, $0x0;
	_ =	strace $0x90000047  }
0x48: {  	s0 =	sadd.s32 @!p0 $0x100000, s0;
	[bflag:$0x2] =	sbarrier.arrive $0xFFFF  }
0x49: {  	[sflag:s0] =	ssyncadd.tile.s32 @!p0 $0x1;
	_ =	shalt  }
.Lfunc_end1:
_tile_overlayer_lowered:
.L_overlay_start_2:
0x4a: {  	(tag) =	ssettag $0x2  }
0x4b: {  	s0 =	rddreg [dreg:$0x0];
	s2 =	stileid.u32  }
0x4c: {  	s1 =	rddreg [dreg:$0x1];
	p0 =	sne.s32 s2, $0x0  }
0x4d: {  	s3 =	rddreg [dreg:$0x2];
	[bflag:$0x3] =	sbarrier.arrive $0xFFFF;
	s2 =	simm.s32 @!p0 $0x1C01  }
0x4e: {  	[timem:s3], [sflag:s2] =	dma.local @!p0 [hbm:s0], s1  }
0x4f: {  	s0 =	simm.s32 @!p0 $0x1  }
0x50: {  	_ =	swait.ge @!p0 [sflag:s0], s1  }
0x51: {  	s1 =	ssub.s32 @!p0 $0x0, s1;
	[sflag:s0] =	ssyncset.done @!p0 $0x0  }
0x52: {  	[sflag:s0] =	ssyncadd.s32 @!p0 s1  }
0x53: {  	[bflag:$0x3] =	sbarrier.arrive $0xFFFF  }
0x54: {  	_ =	shalt  }

// kernel: sparse-core-data-format-call.cloned.1.call-start
scs
called_computation_lowered:
.L_overlay_start_0:
0x0: {  	s2 =	sld [smem:$0x3FD9]  }
0x1: {  	s3 =	sld [smem:$0x3FFE];
	_ =	sdelay $0x1  }
0x2: {  	s1 =	srdreg.scid  }
0x3: {  	s0 =	sand.u32 $0x1, s1  }
0x4: {  	s18 =	sshll.u32 s0, $0xA;
	s2 =	sadd.s32 s3, s2  }
0x5: {  	s2 =	sadd.s32 s2, s18  }
0x6: {  	[smem:$0x3FC7] =	sst s2  }
0x7: {  	_ = 	snop  }
0x8: {  	s2 =	sld [smem:$0x3FD0];
	(tm) =	ssettm $0x1  }
0x9: {  	s19 =	sld [smem:$0x3FFB];
	_ =	sdelay $0x3  }
0xa: {  	_ =	strace s19  }
0xb: {  	s3 =	sld [smem:$0x3FFC];
	_ =	sdelay $0x3  }
0xc: {  	_ =	strace s3  }
0xd: {  	s3 =	sld [smem:$0x3FFD];
	_ =	sdelay $0x3  }
0xe: {  	_ =	strace s3  }
0xf: {  	_ =	strace $0x8FFFFFFF  }
0x10: {  	s20 =	sld [smem:$0x3FDB];
	_ =	sdelay $0x1  }
0x11: {  	s4 =	simm.s32 $_scs_section_size  }
0x12: {  	s5 =	simm.s32 $_size__tile_overlayer_lowered;
	s6 =	simm.s32 $_tile_overlayer_lowered  }
0x13: {  	s23 =	simm.s32 $0x1BFF;
	s22 =	sshll.u32 s6, $0x1;
	s3 =	sadd.s32 s4, s20  }
0x14: {  	s7 =	simm.s32 $0x0;
	s21 =	sshll.u32 s5, $0x1;
	s5 =	sadd.s32 s22, s3  }
0x15: {  	[timem:s7], [sflag:s23] =	dma.local [hbm:s5], s21  }
0x16: {  	_ =	swait.ge [sflag:s23], s21  }
0x17: {  	s4 =	ssub.s32 $0x0, s21;
	[sflag:s23] =	ssyncset.done $0x0  }
0x18: {  	[sflag:s23] =	ssyncadd.s32 s4;
	_ =	sdelay $0x1  }
0x19: {  	s24 =	simm.s32 $0x1B8B  }
0x1a: {  	_ =	swait.ge [sflag:s24], $0x1  }
0x1b: {  	[sflag:s24] =	ssyncset.done $0x0  }
0x1c: {  	s26 =	simm.s32 $0x1B8E;
	s25 =	sld [smem:$0x3FFE];
	[sflag:s24] =	ssyncadd.s32 $0xFFFFFFFF  }
0x1d: {  	s27 =	simm.s32 $execute0_lowered;
	[smem:$0x3FD2] =	sst s26  }
0x1e: {  	s5 =	sshll.u32 s27, $0x1;
	_ =	strace $0x80000049;
	[dreg:$0x1] =	wrdreg $0xFFFFFFFF  }
0x1f: {  	s28 =	simm.s32 $_size_execute0_lowered;
	s3 =	sadd.s32 s3, s5;
	[dreg:$0x0] =	wrdreg $0x0  }
0x20: {  	s5 =	sshll.u32 s28, $0x1;
	[dreg:$0x2] =	wrdreg s3  }
0x21: {  	[dreg:$0x3] =	wrdreg s5  }
0x22: {  	[dreg:$0x4] =	wrdreg $0xC0  }
0x23: {  	_ =	task [dreg:s7], $0x5FFFF  }
0x24: {  	[dreg:$0x1] =	wrdreg $0xFFFFFFFF  }
0x25: {  	[dreg:$0x0] =	wrdreg $0x60  }
0x26: {  	[dreg:$0x2] =	wrdreg s2  }
0x27: {  	[dreg:$0x3] =	wrdreg s25  }
0x28: {  	[dreg:$0x4] =	wrdreg $0x9  }
0x29: {  	_ =	task.clear_ibuf [dreg:s7], $0x5FFFF;
	_ =	strace $0x90000049  }
0x2a: {  	s29 =	simm.s32 $0x9;
	_ =	strace $0x8000004B  }
0x2b: {  	_ =	swait.ge [sflag:s29], $0x1  }
0x2c: {  	[sflag:s29] =	ssyncadd.s32 $0xFFFFFFFF  }
0x2d: {  	_ =	strace $0x9000004B  }
0x2e: {  	_ =	sfence  }
0x2f: {  	s30 =	sld [smem:$0x0];
	_ =	sdelay $0x2  }
0x30: {  	s31 =	sshll.u32 s1, $0xD;
	s1 =	sshrl.u32 s1, $0x2  }
0x31: {  	s3 =	sand.u32 $0x4000, s31;
	s1 =	sadd.s32 s1, s30  }
0x32: {  	s0 =	sor.u32 s3, s0;
	s1 =	sshll.u32 s1, $0x11  }
0x33: {  	s0 =	sor.u32 s1, s0  }
0x34: {  	s0 =	sadd.s32 $0x8F2B, s0  }
0x35: {  	[sflag:s0] =	ssyncadd.remote.s32 $0x1  }
0x36: {  	_ =	sfence.sel $0xFFFF  }
0x37: {  	[dreg:$0x0] =	wrdreg $0xFFFFFFFF;
	(pc) =	sbr.abs _section_cstart, $3  }
0x38: {  	[dreg:$0x1] =	wrdreg $0xFFFFFFFF  }
0x39: {  	_ =	task.clear_ibuf [dreg:s7], $0x2FFFF;
	_ =	strace $0x9FFFFFFF  }
0x3a: {  	(tm) =	ssettm $0x7FFFFFFF  }
0x3b: {  	_ =	shalt  }
tec
execute0_lowered:
.L_overlay_start_1:
0x0: {  	(tag) =	ssettag $0x1  }
0x1: {  	s2 =	rddreg [dreg:$0x0]  }
0x2: {  	s4 =	rddreg [dreg:$0x1]  }
0x3: {  	s0 =	rddreg [dreg:$0x2];
	_ =	strace $0x8000004A  }
0x4: {  	s3 =	srdreg.scid;
	s1 =	stileid.u32;
	s6 =	simm.s32 $0x2  }
0x5: {  	s12 =	simm.s32 $0x0;
	p0 =	por $0x0, $0x0;
	s7 =	simm.s32 $0xC00  }
.Ltmp0:
0x6: {  	s14 =	simm.s32 $0x0;
	s13 =	simm.s32 $0x0;
	(pc) =	sbr.rel .LBB1_1-.Ltmp0, $4  }
0x7: {  	s9 =	simm.s32 $0x0;
	s10 =	simm.s32 $0x0;
	s5 =	sshll.u32 s3, $0x4  }
0x8: {  	s8 =	simm.s32 $0x0;
	s3 =	simm.s32 $0x1;
	s5 =	sand.u32 $0x10, s5  }
0x9: {  	s4 =	sadd.s32 $0x800, s4;
	[sflag:s3] =	ssyncpa.u1 $0x0;
	s5 =	sor.u32 s1, s5  }
0xa: {  	[sflag:s6] =	ssyncpa.u1 $0x0;
	s6 =	simm.s32 $0x20;
	s11 =	smov.u32 s5  }
.LBB1_7:
0xb: {  	s15 =	sadd.s32 $0x4, s9  }
0xc: {  	s12 =	simm.s32 $0x1;
	p2 =	sgt.s32 s15, $0x7  }
0xd: {  	s12 =	simm.s32 @!p2 $0x0  }
0xe: {  	s16 =	sadd.s32 s12, s10  }
0xf: {  	s18 =	smov.u32 s11;
	s12 =	sadd.s32 $0x20, s11;
	p3 =	sgt.s32 s16, $0x17  }
0x10: {  	p1 =	slt.u32 s8, $0x2;
	s18 =	smov.u32 @p3 s12  }
0x11: {  	s8 =	sadd.s32 $0x1, s8;
	s15 =	simm.s32 @p2 $0x0;
	p2 =	sgt.s32 s18, $0x1F  }
0x12: {  	s18 =	smov.u32 @p2 s5;
	p2 =	sne.s32 s8, $0x32  }
.Ltmp1:
0x13: {  	s17 =	simm.s32 @!p1 $0x2;
	(pc) =	sbr.rel @!p2 .LBB1_8-.Ltmp1, $4  }
0x14: {  	s14 =	smov.u32 s10;
	_ =	swait.ge @!p1 [sflag:s17], $0x4000  }
0x15: {  	s13 =	smov.u32 s11;
	p0 =	por !p0, !p0;
	[sflag:s17] =	ssyncset.done @!p1 $0x0  }
0x16: {  	[sflag:s17] =	ssyncadd.s32 @!p1 $0xFFFFC000;
	s16 =	simm.s32 @p3 $0x0;
	s12 =	smov.u32 s9  }
0x17: {  	s9 =	smov.u32 s15;
	s10 =	smov.u32 s16;
	s11 =	smov.u32 s18  }
.LBB1_1:
0x18: {  	p1 =	sgt.u32 s8, $0x2F  }
0x19: {  	s15 =	smul.u32 @!p1 $0x18000, s11;
	_ =	sdelay $0x1  }
0x1a: {  	s16 =	sxor.u32 @!p1 $0xFFFFFFFF, s8;
	s17 =	sshll.u32 @!p1 s10, $0xC;
	s15 =	sadd.s32 @!p1 s2, s15  }
0x1b: {  	s18 =	sshll.u32 @!p1 s9, $0x9;
	s16 =	sshll.u32 @!p1 s16, $0xE;
	s15 =	sadd.s32 @!p1 s17, s15  }
0x1c: {  	s16 =	sand.u32 @!p1 $0x4000, s16;
	s17 =	simm.s32 @!p1 $0x0;
	s15 =	sadd.s32 @!p1 s18, s15  }
0x1d: {  	[tilespmem:s16], [sflag:$0x1] =	stream.linear.gather @!p1 [hbm4b:s15+s17], $0x4000, $0x38;
	[tilespmem:$0x10400] =	vst v63  }
0x1e: {  	p1 =	seq.s32 s8, $0x0  }
0x1f: {  	p2 =	seq.s32 @!p1 s8, $0x31  }
0x20: {  	p1 =	por p1, p2  }
.Ltmp2:
0x21: {  	_ = 	snop;
	(pc) =	sbr.rel @p1 .LBB1_7-.Ltmp2, $1  }
0x22: {  	_ =	sdelay $0x3  }
0x23: {  	s15 =	simm.s32 $0x1;
	s17 =	sand.u32 $0x1, s8  }
0x24: {  	_ =	swait.ge [sflag:s3], $0x4000;
	s15 =	simm.s32 @!p0 $0x0;
	s18 =	smul.u32 $0x10800, s17  }
0x25: {  	[sflag:s3] =	ssyncset.done $0x0;
	s16 =	smul.u32 $0x10800, s15  }
0x26: {  	s15 =	sshll.u32 s15, $0xE;
	[sflag:s3] =	ssyncadd.s32 $0xFFFFC000  }
0x27: {  	s17 =	sor.u32 $0x40, s15;
	s31 =	sshrl.u32 s18, $0x2;
	s16 =	sshrl.u32 s16, $0x2  }
0x28: {  	s18 =	simm.s32 $0x0;
	s15 =	sor.u32 $0x8000, s31;
	s16 =	sor.u32 $0x8000, s16  }
.LBB1_3:
0x29: {  	v0 =	vld [tilespmem:s17+$0x30]  }
0x2a: {  	v1 =	vld [tilespmem:s17+$0xFFFFFFD0]  }
0x2b: {  	v5 =	vld [tilespmem:s17+$0xFFFFFFE0]  }
0x2c: {  	v6 =	vld [tilespmem:s17+$0xFFFFFFF0]  }
0x2d: {  	s19 =	sadd.s32 $0x0, s16;
	v2 =	vld [tilespmem:s17+$0x0]  }
0x2e: {  	v3 =	vld [tilespmem:s17+$0x10];
	[tilespmem:s19+$0xE70 ss:$0x21] =	vst.msk $0xffff, v0  }
0x2f: {  	v4 =	vld [tilespmem:s17+$0x20];
	[tilespmem:s19+$0x210 ss:$0x21] =	vst.msk $0xffff, v1  }
0x30: {  	s20 =	sadd.s32 $0x80, s17;
	v0 =	vld [tilespmem:s17+$0xFFFFFFC0];
	[tilespmem:s19+$0x420 ss:$0x21] =	vst.msk $0xffff, v5  }
0x31: {  	s21 =	simm.s32 $0x4;
	s22 =	simm.s32 $0x8;
	v1 =	vld [tilespmem:s20+$0x30];
	[tilespmem:s19+$0x630 ss:$0x21] =	vst.msk $0xffff, v6  }
.LBB1_4:
0x32: {  	p1 =	sne.s32 s22, $0x7C;
	v5 =	vld [tilespmem:s20+$0xFFFFFFD0];
	[tilespmem:s19+$0x840 ss:$0x21] =	vst.msk $0xffff, v2  }
0x33: {  	v6 =	vld [tilespmem:s20+$0xFFFFFFE0];
	[tilespmem:s19+$0xA50 ss:$0x21] =	vst.msk $0xffff, v3  }
0x34: {  	s23 =	sshra.s32 s21, $0x2;
	s21 =	smov.u32 s22;
	v7 =	vld [tilespmem:s20+$0xFFFFFFF0];
	[tilespmem:s19+$0xC60 ss:$0x21] =	vst.msk $0xffff, v4  }
.Ltmp3:
0x35: {  	v2 =	vld [tilespmem:s20+$0x0];
	[tilespmem:s19+$0x0 ss:$0x21] =	vst.msk $0xffff, v0;
	s19 =	sadd.s32 s23, s16;
	(pc) =	sbr.rel @p1 .LBB1_4-.Ltmp3, $4  }
0x36: {  	v3 =	vld [tilespmem:s20+$0x10];
	[tilespmem:s19+$0xE70 ss:$0x21] =	vst.msk $0xffff, v1  }
0x37: {  	[tilespmem:s19+$0x210 ss:$0x21] =	vst.msk $0xffff, v5;
	v4 =	vld [tilespmem:s20+$0x20]  }
0x38: {  	v0 =	vld [tilespmem:s20+$0xFFFFFFC0];
	[tilespmem:s19+$0x420 ss:$0x21] =	vst.msk $0xffff, v6;
	s20 =	sadd.s32 $0x80, s20  }
0x39: {  	s22 =	sadd.s32 $0x4, s22;
	v1 =	vld [tilespmem:s20+$0x30];
	[tilespmem:s19+$0x630 ss:$0x21] =	vst.msk $0xffff, v7  }
0x3a: {  	v5 =	vld [tilespmem:s20+$0xFFFFFFD0];
	[tilespmem:s19+$0x840 ss:$0x21] =	vst.msk $0xffff, v2  }
0x3b: {  	v58 =	vld [tilespmem:s20+$0xFFFFFFE0];
	[tilespmem:s19+$0xA50 ss:$0x21] =	vst.msk $0xffff, v3  }
0x3c: {  	s21 =	sshra.s32 s21, $0x2;
	v59 =	vld [tilespmem:s20+$0xFFFFFFF0];
	[tilespmem:s19+$0xC60 ss:$0x21] =	vst.msk $0xffff, v4  }
0x3d: {  	v60 =	vld [tilespmem:s20+$0x0];
	s21 =	sadd.s32 s21, s16;
	[tilespmem:s19+$0x0 ss:$0x21] =	vst.msk $0xffff, v0  }
0x3e: {  	v61 =	vld [tilespmem:s20+$0x10];
	[tilespmem:s21+$0xE70 ss:$0x21] =	vst.msk $0xffff, v1  }
0x3f: {  	v62 =	vld [tilespmem:s20+$0x20];
	s18 =	sadd.s32 $0x1, s18;
	[tilespmem:s21+$0x210 ss:$0x21] =	vst.msk $0xffff, v5  }
0x40: {  	v63 =	vld [tilespmem:s20+$0xFFFFFFC0];
	p1 =	sne.s32 s18, $0x4;
	[tilespmem:s21+$0x420 ss:$0x21] =	vst.msk $0xffff, v58  }
.Ltmp4:
0x41: {  	[tilespmem:s21+$0x630 ss:$0x21] =	vst.msk $0xffff, v59;
	(pc) =	sbr.rel @p1 .LBB1_3-.Ltmp4, $4  }
0x42: {  	[tilespmem:s21+$0x840 ss:$0x21] =	vst.msk $0xffff, v60  }
0x43: {  	[tilespmem:s21+$0xA50 ss:$0x21] =	vst.msk $0xffff, v61  }
0x44: {  	[tilespmem:s21+$0xC60 ss:$0x21] =	vst.msk $0xffff, v62  }
0x45: {  	s17 =	sadd.s32 $0x1000, s17;
	s16 =	sadd.s32 $0x1080, s16;
	[tilespmem:s21+$0x0 ss:$0x21] =	vst.msk $0xffff, v63  }
0x46: {  	s14 =	sand.u32 $0x1FFFFFF, s14;
	s13 =	smul.u32 $0x60000, s13  }
0x47: {  	s16 =	smulhi.u32 $0xAAAAAAB, s14  }
0x48: {  	s12 =	smul.u32 $0xC000, s12  }
0x49: {  	s16 =	smul.u32 $0x18, s16  }
.Ltmp5:
0x4a: {  	_ = 	snop;
	(pc) =	sbr.rel .LBB1_7-.Ltmp5, $4  }
0x4b: {  	s13 =	sadd.s32 s4, s13;
	s14 =	ssub.s32 s14, s16  }
0x4c: {  	s12 =	sadd.s32 s12, s13;
	s14 =	sshll.u32 s14, $0x4  }
0x4d: {  	s12 =	sadd.s32 s14, s12  }
0x4e: {  	[hbm4b:s12+s6] =	stream.strided.scatter [tilespmem:s15], [sflag:$0x2], $0x4000, s7, s6, $0x10;
	[tilespmem:$0x10400] =	vst v63  }
.LBB1_8:
0x4f: {  	_ =	sfence.sel $0x180000  }
0x50: {  	s2 =	simm.s32 $0x1;
	[bflag:$0x0] =	sbarrier.arrive $0xFFFF  }
0x51: {  	s31 =	simm.s32 $0x2;
	[sflag:s2] =	ssyncpa.u1 $0x1  }
0x52: {  	[sflag:s31] =	ssyncpa.u1 $0x1  }
0x53: {  	p0 =	sne.s32 s1, $0x0;
	_ =	strace $0x9000004A  }
0x54: {  	s0 =	sadd.s32 @!p0 $0x100000, s0;
	[bflag:$0x2] =	sbarrier.arrive $0xFFFF  }
0x55: {  	[sflag:s0] =	ssyncadd.tile.s32 @!p0 $0x1;
	_ =	shalt  }
.Lfunc_end1:
_tile_overlayer_lowered:
.L_overlay_start_2:
0x56: {  	(tag) =	ssettag $0x2  }
0x57: {  	s0 =	rddreg [dreg:$0x0];
	s2 =	stileid.u32  }
0x58: {  	s1 =	rddreg [dreg:$0x1];
	p0 =	sne.s32 s2, $0x0  }
0x59: {  	s3 =	rddreg [dreg:$0x2];
	[bflag:$0x3] =	sbarrier.arrive $0xFFFF;
	s2 =	simm.s32 @!p0 $0x1C01  }
0x5a: {  	[timem:s3], [sflag:s2] =	dma.local @!p0 [hbm:s0], s1  }
0x5b: {  	s0 =	simm.s32 @!p0 $0x1  }
0x5c: {  	_ =	swait.ge @!p0 [sflag:s0], s1  }
0x5d: {  	s1 =	ssub.s32 @!p0 $0x0, s1;
	[sflag:s0] =	ssyncset.done @!p0 $0x0  }
0x5e: {  	[sflag:s0] =	ssyncadd.s32 @!p0 s1  }
0x5f: {  	[bflag:$0x3] =	sbarrier.arrive $0xFFFF  }
0x60: {  	_ =	shalt  }

</sc_bundles>
